<compile_context>
chip_gen: v7x
topology: tpu7x:2x2x1
jax: 0.10.2.dev20260603
libtpu: 0.0.44.dev20260713+nightly
codegen_flags: <defaults>
</compile_context>

<pallas_src>
import functools

import jax
import jax.numpy as jnp
from jax import lax
from jax.experimental import pallas as pl
from jax.experimental.pallas import tpu as pltpu
from jax.experimental.pallas import tpu_sc as plsc

DAY_SIZE = 32
TIME_SIZE = 32

BS = 8
ROWS_PER_W = 48
PAD_W = 128


def _make_sc_gather(n_rows):
    n_workers = n_rows // ROWS_PER_W
    mesh = plsc.VectorSubcoreMesh(core_axis_name="c", subcore_axis_name="s")

    @functools.partial(
        pl.kernel,
        mesh=mesh,
        out_type=jax.ShapeDtypeStruct((n_rows, PAD_W), jnp.float32),
        scratch_types=[
            pltpu.VMEM((ROWS_PER_W,), jnp.int32),
            pltpu.VMEM((ROWS_PER_W, PAD_W), jnp.float32),
            pltpu.SemaphoreType.DMA,
        ],
    )
    def sc_gather(table_hbm, idx_hbm, rows_hbm, idx_v, rows_v, sem):
        wid = lax.axis_index("s")
        cid = lax.axis_index("c")

        @pl.when((cid == 0) & (wid < n_workers))
        def _():
            base = wid * ROWS_PER_W
            pltpu.sync_copy(idx_hbm.at[pl.ds(base, ROWS_PER_W)], idx_v)
            pltpu.async_copy(table_hbm.at[idx_v], rows_v, sem).wait()
            pltpu.sync_copy(rows_v, rows_hbm.at[pl.ds(base, ROWS_PER_W)])

    return sc_gather


def _embed_block_kernel(eday_ref, etime_ref, wnode_ref, out_ref):
    node_count = out_ref.shape[1]
    node_part = wnode_ref[...]
    for j in range(BS):
        block = jnp.concatenate(
            (
                jnp.broadcast_to(
                    eday_ref[pl.ds(j, 1), 0:DAY_SIZE], (node_count, DAY_SIZE)
                ),
                jnp.broadcast_to(
                    etime_ref[pl.ds(j, 1), 0:TIME_SIZE], (node_count, TIME_SIZE)
                ),
                node_part,
            ),
            axis=-1,
        )
        out_ref[j] = block


def kernel(daytime, W_day, W_time, W_node):
    batch, seq, _ = daytime.shape
    node_count, node_size = W_node.shape
    bs = batch * seq
    feat = DAY_SIZE + TIME_SIZE + node_size
    day_count = W_day.shape[0]

    table = jnp.concatenate(
        (
            jnp.pad(W_day, ((0, 0), (0, PAD_W - DAY_SIZE))),
            jnp.pad(W_time, ((0, 0), (0, PAD_W - TIME_SIZE))),
        ),
        axis=0,
    )
    d_idx = daytime[..., 0].reshape(bs)
    t_idx = daytime[..., 1].reshape(bs) + day_count
    idx = jnp.concatenate((d_idx, t_idx))

    rows = _make_sc_gather(2 * bs)(table, idx)

    n_blk = bs // BS
    out = pl.pallas_call(
        _embed_block_kernel,
        grid=(n_blk,),
        in_specs=[
            pl.BlockSpec((BS, PAD_W), lambda i: (i, 0)),
            pl.BlockSpec((BS, PAD_W), lambda i: (i + n_blk, 0)),
            pl.BlockSpec(W_node.shape, lambda i: (0, 0)),
        ],
        out_specs=pl.BlockSpec((BS, node_count, feat), lambda i: (i, 0, 0)),
        out_shape=jax.ShapeDtypeStruct((bs, node_count, feat), jnp.float32),
    )(rows, rows, W_node)
    return out.reshape(batch, seq, node_count, feat)

# --- scband reference (transcript-rebuilt; emitter-appended) ---
"""Pipeline reference for scband-stembedding-83751862272566 (READ-ONLY COPY).

The authoritative reference and input builder live on the scoring server;
editing this copy changes nothing except your own understanding.
"""

import jax, jax.numpy as jnp
import numpy as np

NODE_COUNT = 1024
NODE_SIZE = 64
DAY_COUNT = 7
DAY_SIZE = 32
TIME_COUNT = 288
TIME_SIZE = 32


def setup_inputs(seed: int = 0) -> dict:
    key = jax.random.key(seed)
    k1, k2, k3, k4 = jax.random.split(key, 4)
    daytime = jax.random.randint(k1, (32, 12, 2), 0, 7, dtype=jnp.int32)
    W_day = jax.random.normal(k2, (DAY_COUNT, DAY_SIZE), dtype=jnp.float32) * 0.02
    W_time = jax.random.normal(k3, (TIME_COUNT, TIME_SIZE), dtype=jnp.float32) * 0.02
    W_node = jax.random.normal(k4, (NODE_COUNT, NODE_SIZE), dtype=jnp.float32) * 0.02
    return {"daytime": daytime, "W_day": W_day, "W_time": W_time, "W_node": W_node}


def reference(daytime, W_day, W_time, W_node):
    batch, seq, _ = daytime.shape
    node_count = W_node.shape[0]
    # daytime = daytime.unsqueeze(-2) -> [b, s, 1, 2]
    dt = daytime[:, :, None, :]
    # embedding lookups (gather), then repeat along node dim
    embed_day = jnp.take(W_day, dt[..., 0], axis=0)    # [b, s, 1, day_size]
    embed_day = jnp.tile(embed_day, (1, 1, node_count, 1))
    embed_time = jnp.take(W_time, dt[..., 1], axis=0)  # [b, s, 1, time_size]
    embed_time = jnp.tile(embed_time, (1, 1, node_count, 1))
    node = jnp.arange(node_count, dtype=jnp.int32)     # [node_count]
    embed_node = jnp.take(W_node, node, axis=0)        # [node_count, node_size]
    embed_node = jnp.tile(embed_node[None, None, :, :], (batch, seq, 1, 1))
    embedded = jnp.concatenate((embed_day, embed_time, embed_node), axis=-1)
    # dropout p=0 -> identity
    return embedded

if __name__ == "__main__":
    import jax
    _d = setup_inputs()
    print(jax.jit(kernel)(*tuple(_d.values())))

</pallas_src>

<mosaic_0001>
#map = affine_map<(d0, d1) -> (0, 0)>
#map1 = affine_map<(d0, d1) -> (0)>
module attributes {stable_mosaic.version = 14 : i64} {
  func.func @sc_gather(%arg0: i32, %arg1: i32, %arg2: memref<295x128xf32, #tpu.memory_space<hbm>>, %arg3: memref<768xi32, #tpu.memory_space<hbm>>, %arg4: memref<768x128xf32, #tpu.memory_space<hbm>>, %arg5: memref<48xi32, #tpu.memory_space<vmem>>, %arg6: memref<48x128xf32, #tpu.memory_space<vmem>>, %arg7: memref<!tpu.dma_semaphore, #tpu.memory_space<semaphore_mem>>) attributes {dimension_semantics = [#tpu.dimension_semantics<core_parallel>, #tpu.dimension_semantics<subcore_parallel>], iteration_bounds = array<i64: 2, 16>, scalar_prefetch = 0 : i64, scratch_operands = 3 : i64, tpu.core_type = #tpu.core_type<sc_vector_subcore>, window_params = [{transform_indices = #map}, {transform_indices = #map1}, {transform_indices = #map}]} {
    %eq3A = arith.constant 0 : i32
    %eq3A_0 = arith.cmpi eq, %arg0, %eq3A : i32
    %lt3A = arith.constant 16 : i32
    %lt3A_1 = arith.cmpi slt, %arg1, %lt3A : i32
    %and3A = arith.andi %eq3A_0, %lt3A_1 : i1
    %convert_element_type3A = arith.extui %and3A : i1 to i32
    %cond3A = arith.constant 0 : i32
    %cond3A_2 = arith.cmpi ne, %convert_element_type3A, %cond3A : i32
    scf.if %cond3A_2 {
      %mul3A = arith.constant 48 : i32
      %mul3A_3 = arith.muli %arg1, %mul3A : i32
      "tpu.region"() ({
        %run_scoped3A = tpu.sem_alloc : memref<!tpu.dma_semaphore, #tpu.memory_space<semaphore_mem>>
        %dma_start3A_8 = tpu.memref_slice %arg3[%mul3A_3] : memref<768xi32, #tpu.memory_space<hbm>> -> memref<48xi32, #tpu.memory_space<hbm>>
        %dma_start3A_9 = tpu.memref_slice %arg3[%mul3A_3] : memref<768xi32, #tpu.memory_space<hbm>> -> memref<48xi32, #tpu.memory_space<hbm>>
        tpu.enqueue_dma source(%dma_start3A_9 : memref<48xi32, #tpu.memory_space<hbm>>) target(%arg5 : memref<48xi32, #tpu.memory_space<vmem>>) target_semaphore(%run_scoped3A : memref<!tpu.dma_semaphore, #tpu.memory_space<semaphore_mem>>)
        %dma_wait3A_10 = tpu.memref_slice %arg3[%mul3A_3] : memref<768xi32, #tpu.memory_space<hbm>> -> memref<48xi32, #tpu.memory_space<hbm>>
        %dma_wait3A_11 = tpu.memref_slice %arg3[%mul3A_3] : memref<768xi32, #tpu.memory_space<hbm>> -> memref<48xi32, #tpu.memory_space<hbm>>
        tpu.wait_dma2 semaphore(%run_scoped3A : memref<!tpu.dma_semaphore, #tpu.memory_space<semaphore_mem>>) src(%dma_wait3A_11 : memref<48xi32, #tpu.memory_space<hbm>>) dst(%arg5 : memref<48xi32, #tpu.memory_space<vmem>>)
        tpu.yield
      }) : () -> ()
      %dma_start3A = arith.constant 0 : i32
      %dma_start3A_4 = arith.constant 0 : i32
      %dma_start3A_5 = tpu.memref_slice %arg2[%dma_start3A, %dma_start3A_4] : memref<295x128xf32, #tpu.memory_space<hbm>> -> memref<295x128xf32, #tpu.memory_space<hbm>>
      tpu.enqueue_indirect_dma source(%dma_start3A_5 : memref<295x128xf32, #tpu.memory_space<hbm>>) target(%arg6 : memref<48x128xf32, #tpu.memory_space<vmem>>) offsets(%arg5 : memref<48xi32, #tpu.memory_space<vmem>>) semaphore(%arg7 : memref<!tpu.dma_semaphore, #tpu.memory_space<semaphore_mem>>)
      %dma_wait3A = arith.constant 0 : i32
      %dma_wait3A_6 = arith.constant 0 : i32
      %dma_wait3A_7 = tpu.memref_slice %arg2[%dma_wait3A, %dma_wait3A_6] : memref<295x128xf32, #tpu.memory_space<hbm>> -> memref<295x128xf32, #tpu.memory_space<hbm>>
      tpu.wait_indirect_dma semaphore(%arg7 : memref<!tpu.dma_semaphore, #tpu.memory_space<semaphore_mem>>) src(%dma_wait3A_7 : memref<295x128xf32, #tpu.memory_space<hbm>>) dst(%arg6 : memref<48x128xf32, #tpu.memory_space<vmem>>)
      "tpu.region"() ({
        %run_scoped3A = tpu.sem_alloc : memref<!tpu.dma_semaphore, #tpu.memory_space<semaphore_mem>>
        %dma_start3A_8 = arith.constant 0 : i32
        %dma_start3A_9 = tpu.memref_slice %arg4[%mul3A_3, %dma_start3A_8] : memref<768x128xf32, #tpu.memory_space<hbm>> -> memref<48x128xf32, #tpu.memory_space<hbm>>
        %dma_start3A_10 = arith.constant 0 : i32
        %dma_start3A_11 = tpu.memref_slice %arg4[%mul3A_3, %dma_start3A_10] : memref<768x128xf32, #tpu.memory_space<hbm>> -> memref<48x128xf32, #tpu.memory_space<hbm>>
        tpu.enqueue_dma source(%arg6 : memref<48x128xf32, #tpu.memory_space<vmem>>) target(%dma_start3A_11 : memref<48x128xf32, #tpu.memory_space<hbm>>) target_semaphore(%run_scoped3A : memref<!tpu.dma_semaphore, #tpu.memory_space<semaphore_mem>>)
        %dma_wait3A_12 = arith.constant 0 : i32
        %dma_wait3A_13 = tpu.memref_slice %arg4[%mul3A_3, %dma_wait3A_12] : memref<768x128xf32, #tpu.memory_space<hbm>> -> memref<48x128xf32, #tpu.memory_space<hbm>>
        %dma_wait3A_14 = arith.constant 0 : i32
        %dma_wait3A_15 = tpu.memref_slice %arg4[%mul3A_3, %dma_wait3A_14] : memref<768x128xf32, #tpu.memory_space<hbm>> -> memref<48x128xf32, #tpu.memory_space<hbm>>
        tpu.wait_dma2 semaphore(%run_scoped3A : memref<!tpu.dma_semaphore, #tpu.memory_space<semaphore_mem>>) src(%arg6 : memref<48x128xf32, #tpu.memory_space<vmem>>) dst(%dma_wait3A_15 : memref<48x128xf32, #tpu.memory_space<hbm>>)
        tpu.yield
      }) : () -> ()
    } else {
    }
    return
  }
}

module attributes {stable_mosaic.version = 14 : i64} {
  func.func @_embed_block_kernel(%arg0: i32, %arg1: memref<8x128xf32, #tpu.memory_space<vmem>>, %arg2: memref<8x128xf32, #tpu.memory_space<vmem>>, %arg3: memref<1024x64xf32, #tpu.memory_space<vmem>>, %arg4: memref<8x1024x128xf32, #tpu.memory_space<vmem>>) attributes {dimension_semantics = [#tpu.dimension_semantics<arbitrary>], iteration_bounds = array<i64: 48>, scalar_prefetch = 0 : i64, scratch_operands = 0 : i64, tpu.core_type = #tpu.core_type<tc>, window_params = [{transform_indices = @transform_0, window_bounds = array<i64: 8, 128>}, {transform_indices = @transform_1, window_bounds = array<i64: 8, 128>}, {pipeline_mode = #tpu.pipeline_mode<synchronous>, transform_indices = @transform_2, window_bounds = array<i64: 1024, 64>}, {transform_indices = @transform_3, window_bounds = array<i64: 8, 1024, 128>}]} {
    %get3A = arith.constant 0 : index
    %get3A_0 = arith.constant 0 : index
    %get3A_1 = vector.load %arg3[%get3A, %get3A_0] : memref<1024x64xf32, #tpu.memory_space<vmem>>, vector<1024x64xf32>
    %get3A_2 = arith.constant 0 : index
    %get3A_3 = arith.constant 0 : index
    %get3A_4 = vector.load %arg1[%get3A_2, %get3A_3] : memref<8x128xf32, #tpu.memory_space<vmem>>, vector<1x32xf32>
    %broadcast_in_dim3A = vector.shape_cast %get3A_4 : vector<1x32xf32> to vector<1x32xf32>
    %broadcast_in_dim3A_5 = vector.broadcast %broadcast_in_dim3A : vector<1x32xf32> to vector<1024x32xf32>
    %get3A_6 = arith.constant 0 : index
    %get3A_7 = arith.constant 0 : index
    %get3A_8 = vector.load %arg2[%get3A_6, %get3A_7] : memref<8x128xf32, #tpu.memory_space<vmem>>, vector<1x32xf32>
    %broadcast_in_dim3A_9 = vector.shape_cast %get3A_8 : vector<1x32xf32> to vector<1x32xf32>
    %broadcast_in_dim3A_10 = vector.broadcast %broadcast_in_dim3A_9 : vector<1x32xf32> to vector<1024x32xf32>
    %concatenate3A = tpu.concatenate %broadcast_in_dim3A_5, %broadcast_in_dim3A_10, %get3A_1 in 1 : vector<1024x32xf32>, vector<1024x32xf32>, vector<1024x64xf32> -> vector<1024x128xf32>
    %swap3A = arith.constant 0 : index
    %swap3A_11 = arith.constant 0 : index
    %swap3A_12 = arith.constant 0 : index
    %swap3A_13 = vector.load %arg4[%swap3A, %swap3A_11, %swap3A_12] : memref<8x1024x128xf32, #tpu.memory_space<vmem>>, vector<1x1024x128xf32>
    %swap3A_14 = vector.shape_cast %swap3A_13 : vector<1x1024x128xf32> to vector<1024x128xf32>
    %swap3A_15 = vector.shape_cast %concatenate3A : vector<1024x128xf32> to vector<1x1024x128xf32>
    tpu.vector_store %arg4[%swap3A, %swap3A_11, %swap3A_12], %swap3A_15 {strides = array<i32>} : memref<8x1024x128xf32, #tpu.memory_space<vmem>>, vector<1x1024x128xf32>,
    %get3A_16 = arith.constant 1 : index
    %get3A_17 = arith.constant 0 : index
    %get3A_18 = vector.load %arg1[%get3A_16, %get3A_17] : memref<8x128xf32, #tpu.memory_space<vmem>>, vector<1x32xf32>
    %broadcast_in_dim3A_19 = vector.shape_cast %get3A_18 : vector<1x32xf32> to vector<1x32xf32>
    %broadcast_in_dim3A_20 = vector.broadcast %broadcast_in_dim3A_19 : vector<1x32xf32> to vector<1024x32xf32>
    %get3A_21 = arith.constant 1 : index
    %get3A_22 = arith.constant 0 : index
    %get3A_23 = vector.load %arg2[%get3A_21, %get3A_22] : memref<8x128xf32, #tpu.memory_space<vmem>>, vector<1x32xf32>
    %broadcast_in_dim3A_24 = vector.shape_cast %get3A_23 : vector<1x32xf32> to vector<1x32xf32>
    %broadcast_in_dim3A_25 = vector.broadcast %broadcast_in_dim3A_24 : vector<1x32xf32> to vector<1024x32xf32>
    %concatenate3A_26 = tpu.concatenate %broadcast_in_dim3A_20, %broadcast_in_dim3A_25, %get3A_1 in 1 : vector<1024x32xf32>, vector<1024x32xf32>, vector<1024x64xf32> -> vector<1024x128xf32>
    %swap3A_27 = arith.constant 1 : index
    %swap3A_28 = arith.constant 0 : index
    %swap3A_29 = arith.constant 0 : index
    %swap3A_30 = vector.load %arg4[%swap3A_27, %swap3A_28, %swap3A_29] : memref<8x1024x128xf32, #tpu.memory_space<vmem>>, vector<1x1024x128xf32>
    %swap3A_31 = vector.shape_cast %swap3A_30 : vector<1x1024x128xf32> to vector<1024x128xf32>
    %swap3A_32 = vector.shape_cast %concatenate3A_26 : vector<1024x128xf32> to vector<1x1024x128xf32>
    tpu.vector_store %arg4[%swap3A_27, %swap3A_28, %swap3A_29], %swap3A_32 {strides = array<i32>} : memref<8x1024x128xf32, #tpu.memory_space<vmem>>, vector<1x1024x128xf32>,
    %get3A_33 = arith.constant 2 : index
    %get3A_34 = arith.constant 0 : index
    %get3A_35 = vector.load %arg1[%get3A_33, %get3A_34] : memref<8x128xf32, #tpu.memory_space<vmem>>, vector<1x32xf32>
    %broadcast_in_dim3A_36 = vector.shape_cast %get3A_35 : vector<1x32xf32> to vector<1x32xf32>
    %broadcast_in_dim3A_37 = vector.broadcast %broadcast_in_dim3A_36 : vector<1x32xf32> to vector<1024x32xf32>
    %get3A_38 = arith.constant 2 : index
    %get3A_39 = arith.constant 0 : index
    %get3A_40 = vector.load %arg2[%get3A_38, %get3A_39] : memref<8x128xf32, #tpu.memory_space<vmem>>, vector<1x32xf32>
    %broadcast_in_dim3A_41 = vector.shape_cast %get3A_40 : vector<1x32xf32> to vector<1x32xf32>
    %broadcast_in_dim3A_42 = vector.broadcast %broadcast_in_dim3A_41 : vector<1x32xf32> to vector<1024x32xf32>
    %concatenate3A_43 = tpu.concatenate %broadcast_in_dim3A_37, %broadcast_in_dim3A_42, %get3A_1 in 1 : vector<1024x32xf32>, vector<1024x32xf32>, vector<1024x64xf32> -> vector<1024x128xf32>
    %swap3A_44 = arith.constant 2 : index
    %swap3A_45 = arith.constant 0 : index
    %swap3A_46 = arith.constant 0 : index
    %swap3A_47 = vector.load %arg4[%swap3A_44, %swap3A_45, %swap3A_46] : memref<8x1024x128xf32, #tpu.memory_space<vmem>>, vector<1x1024x128xf32>
    %swap3A_48 = vector.shape_cast %swap3A_47 : vector<1x1024x128xf32> to vector<1024x128xf32>
    %swap3A_49 = vector.shape_cast %concatenate3A_43 : vector<1024x128xf32> to vector<1x1024x128xf32>
    tpu.vector_store %arg4[%swap3A_44, %swap3A_45, %swap3A_46], %swap3A_49 {strides = array<i32>} : memref<8x1024x128xf32, #tpu.memory_space<vmem>>, vector<1x1024x128xf32>,
    %get3A_50 = arith.constant 3 : index
    %get3A_51 = arith.constant 0 : index
    %get3A_52 = vector.load %arg1[%get3A_50, %get3A_51] : memref<8x128xf32, #tpu.memory_space<vmem>>, vector<1x32xf32>
    %broadcast_in_dim3A_53 = vector.shape_cast %get3A_52 : vector<1x32xf32> to vector<1x32xf32>
    %broadcast_in_dim3A_54 = vector.broadcast %broadcast_in_dim3A_53 : vector<1x32xf32> to vector<1024x32xf32>
    %get3A_55 = arith.constant 3 : index
    %get3A_56 = arith.constant 0 : index
    %get3A_57 = vector.load %arg2[%get3A_55, %get3A_56] : memref<8x128xf32, #tpu.memory_space<vmem>>, vector<1x32xf32>
    %broadcast_in_dim3A_58 = vector.shape_cast %get3A_57 : vector<1x32xf32> to vector<1x32xf32>
    %broadcast_in_dim3A_59 = vector.broadcast %broadcast_in_dim3A_58 : vector<1x32xf32> to vector<1024x32xf32>
    %concatenate3A_60 = tpu.concatenate %broadcast_in_dim3A_54, %broadcast_in_dim3A_59, %get3A_1 in 1 : vector<1024x32xf32>, vector<1024x32xf32>, vector<1024x64xf32> -> vector<1024x128xf32>
    %swap3A_61 = arith.constant 3 : index
    %swap3A_62 = arith.constant 0 : index
    %swap3A_63 = arith.constant 0 : index
    %swap3A_64 = vector.load %arg4[%swap3A_61, %swap3A_62, %swap3A_63] : memref<8x1024x128xf32, #tpu.memory_space<vmem>>, vector<1x1024x128xf32>
    %swap3A_65 = vector.shape_cast %swap3A_64 : vector<1x1024x128xf32> to vector<1024x128xf32>
    %swap3A_66 = vector.shape_cast %concatenate3A_60 : vector<1024x128xf32> to vector<1x1024x128xf32>
    tpu.vector_store %arg4[%swap3A_61, %swap3A_62, %swap3A_63], %swap3A_66 {strides = array<i32>} : memref<8x1024x128xf32, #tpu.memory_space<vmem>>, vector<1x1024x128xf32>,
    %get3A_67 = arith.constant 4 : index
    %get3A_68 = arith.constant 0 : index
    %get3A_69 = vector.load %arg1[%get3A_67, %get3A_68] : memref<8x128xf32, #tpu.memory_space<vmem>>, vector<1x32xf32>
    %broadcast_in_dim3A_70 = vector.shape_cast %get3A_69 : vector<1x32xf32> to vector<1x32xf32>
    %broadcast_in_dim3A_71 = vector.broadcast %broadcast_in_dim3A_70 : vector<1x32xf32> to vector<1024x32xf32>
    %get3A_72 = arith.constant 4 : index
    %get3A_73 = arith.constant 0 : index
    %get3A_74 = vector.load %arg2[%get3A_72, %get3A_73] : memref<8x128xf32, #tpu.memory_space<vmem>>, vector<1x32xf32>
    %broadcast_in_dim3A_75 = vector.shape_cast %get3A_74 : vector<1x32xf32> to vector<1x32xf32>
    %broadcast_in_dim3A_76 = vector.broadcast %broadcast_in_dim3A_75 : vector<1x32xf32> to vector<1024x32xf32>
    %concatenate3A_77 = tpu.concatenate %broadcast_in_dim3A_71, %broadcast_in_dim3A_76, %get3A_1 in 1 : vector<1024x32xf32>, vector<1024x32xf32>, vector<1024x64xf32> -> vector<1024x128xf32>
    %swap3A_78 = arith.constant 4 : index
    %swap3A_79 = arith.constant 0 : index
    %swap3A_80 = arith.constant 0 : index
    %swap3A_81 = vector.load %arg4[%swap3A_78, %swap3A_79, %swap3A_80] : memref<8x1024x128xf32, #tpu.memory_space<vmem>>, vector<1x1024x128xf32>
    %swap3A_82 = vector.shape_cast %swap3A_81 : vector<1x1024x128xf32> to vector<1024x128xf32>
    %swap3A_83 = vector.shape_cast %concatenate3A_77 : vector<1024x128xf32> to vector<1x1024x128xf32>
    tpu.vector_store %arg4[%swap3A_78, %swap3A_79, %swap3A_80], %swap3A_83 {strides = array<i32>} : memref<8x1024x128xf32, #tpu.memory_space<vmem>>, vector<1x1024x128xf32>,
    %get3A_84 = arith.constant 5 : index
    %get3A_85 = arith.constant 0 : index
    %get3A_86 = vector.load %arg1[%get3A_84, %get3A_85] : memref<8x128xf32, #tpu.memory_space<vmem>>, vector<1x32xf32>
    %broadcast_in_dim3A_87 = vector.shape_cast %get3A_86 : vector<1x32xf32> to vector<1x32xf32>
    %broadcast_in_dim3A_88 = vector.broadcast %broadcast_in_dim3A_87 : vector<1x32xf32> to vector<1024x32xf32>
    %get3A_89 = arith.constant 5 : index
    %get3A_90 = arith.constant 0 : index
    %get3A_91 = vector.load %arg2[%get3A_89, %get3A_90] : memref<8x128xf32, #tpu.memory_space<vmem>>, vector<1x32xf32>
    %broadcast_in_dim3A_92 = vector.shape_cast %get3A_91 : vector<1x32xf32> to vector<1x32xf32>
    %broadcast_in_dim3A_93 = vector.broadcast %broadcast_in_dim3A_92 : vector<1x32xf32> to vector<1024x32xf32>
    %concatenate3A_94 = tpu.concatenate %broadcast_in_dim3A_88, %broadcast_in_dim3A_93, %get3A_1 in 1 : vector<1024x32xf32>, vector<1024x32xf32>, vector<1024x64xf32> -> vector<1024x128xf32>
    %swap3A_95 = arith.constant 5 : index
    %swap3A_96 = arith.constant 0 : index
    %swap3A_97 = arith.constant 0 : index
    %swap3A_98 = vector.load %arg4[%swap3A_95, %swap3A_96, %swap3A_97] : memref<8x1024x128xf32, #tpu.memory_space<vmem>>, vector<1x1024x128xf32>
    %swap3A_99 = vector.shape_cast %swap3A_98 : vector<1x1024x128xf32> to vector<1024x128xf32>
    %swap3A_100 = vector.shape_cast %concatenate3A_94 : vector<1024x128xf32> to vector<1x1024x128xf32>
    tpu.vector_store %arg4[%swap3A_95, %swap3A_96, %swap3A_97], %swap3A_100 {strides = array<i32>} : memref<8x1024x128xf32, #tpu.memory_space<vmem>>, vector<1x1024x128xf32>,
    %get3A_101 = arith.constant 6 : index
    %get3A_102 = arith.constant 0 : index
    %get3A_103 = vector.load %arg1[%get3A_101, %get3A_102] : memref<8x128xf32, #tpu.memory_space<vmem>>, vector<1x32xf32>
    %broadcast_in_dim3A_104 = vector.shape_cast %get3A_103 : vector<1x32xf32> to vector<1x32xf32>
    %broadcast_in_dim3A_105 = vector.broadcast %broadcast_in_dim3A_104 : vector<1x32xf32> to vector<1024x32xf32>
    %get3A_106 = arith.constant 6 : index
    %get3A_107 = arith.constant 0 : index
    %get3A_108 = vector.load %arg2[%get3A_106, %get3A_107] : memref<8x128xf32, #tpu.memory_space<vmem>>, vector<1x32xf32>
    %broadcast_in_dim3A_109 = vector.shape_cast %get3A_108 : vector<1x32xf32> to vector<1x32xf32>
    %broadcast_in_dim3A_110 = vector.broadcast %broadcast_in_dim3A_109 : vector<1x32xf32> to vector<1024x32xf32>
    %concatenate3A_111 = tpu.concatenate %broadcast_in_dim3A_105, %broadcast_in_dim3A_110, %get3A_1 in 1 : vector<1024x32xf32>, vector<1024x32xf32>, vector<1024x64xf32> -> vector<1024x128xf32>
    %swap3A_112 = arith.constant 6 : index
    %swap3A_113 = arith.constant 0 : index
    %swap3A_114 = arith.constant 0 : index
    %swap3A_115 = vector.load %arg4[%swap3A_112, %swap3A_113, %swap3A_114] : memref<8x1024x128xf32, #tpu.memory_space<vmem>>, vector<1x1024x128xf32>
    %swap3A_116 = vector.shape_cast %swap3A_115 : vector<1x1024x128xf32> to vector<1024x128xf32>
    %swap3A_117 = vector.shape_cast %concatenate3A_111 : vector<1024x128xf32> to vector<1x1024x128xf32>
    tpu.vector_store %arg4[%swap3A_112, %swap3A_113, %swap3A_114], %swap3A_117 {strides = array<i32>} : memref<8x1024x128xf32, #tpu.memory_space<vmem>>, vector<1x1024x128xf32>,
    %get3A_118 = arith.constant 7 : index
    %get3A_119 = arith.constant 0 : index
    %get3A_120 = vector.load %arg1[%get3A_118, %get3A_119] : memref<8x128xf32, #tpu.memory_space<vmem>>, vector<1x32xf32>
    %broadcast_in_dim3A_121 = vector.shape_cast %get3A_120 : vector<1x32xf32> to vector<1x32xf32>
    %broadcast_in_dim3A_122 = vector.broadcast %broadcast_in_dim3A_121 : vector<1x32xf32> to vector<1024x32xf32>
    %get3A_123 = arith.constant 7 : index
    %get3A_124 = arith.constant 0 : index
    %get3A_125 = vector.load %arg2[%get3A_123, %get3A_124] : memref<8x128xf32, #tpu.memory_space<vmem>>, vector<1x32xf32>
    %broadcast_in_dim3A_126 = vector.shape_cast %get3A_125 : vector<1x32xf32> to vector<1x32xf32>
    %broadcast_in_dim3A_127 = vector.broadcast %broadcast_in_dim3A_126 : vector<1x32xf32> to vector<1024x32xf32>
    %concatenate3A_128 = tpu.concatenate %broadcast_in_dim3A_122, %broadcast_in_dim3A_127, %get3A_1 in 1 : vector<1024x32xf32>, vector<1024x32xf32>, vector<1024x64xf32> -> vector<1024x128xf32>
    %swap3A_129 = arith.constant 7 : index
    %swap3A_130 = arith.constant 0 : index
    %swap3A_131 = arith.constant 0 : index
    %swap3A_132 = vector.load %arg4[%swap3A_129, %swap3A_130, %swap3A_131] : memref<8x1024x128xf32, #tpu.memory_space<vmem>>, vector<1x1024x128xf32>
    %swap3A_133 = vector.shape_cast %swap3A_132 : vector<1x1024x128xf32> to vector<1024x128xf32>
    %swap3A_134 = vector.shape_cast %concatenate3A_128 : vector<1024x128xf32> to vector<1x1024x128xf32>
    tpu.vector_store %arg4[%swap3A_129, %swap3A_130, %swap3A_131], %swap3A_134 {strides = array<i32>} : memref<8x1024x128xf32, #tpu.memory_space<vmem>>, vector<1x1024x128xf32>,
    return
  }
  func.func @transform_0(%arg0: i32) -> (i32, i32) {
    %c0_i32 = arith.constant 0 : i32
    %c0_i32_0 = arith.constant 0 : i32
    return %arg0, %c0_i32 : i32, i32
  }
  func.func @transform_1(%arg0: i32) -> (i32, i32) {
    %add3A = arith.constant 48 : i32
    %add3A_0 = arith.addi %arg0, %add3A : i32
    %c0_i32 = arith.constant 0 : i32
    %c0_i32_1 = arith.constant 0 : i32
    return %add3A_0, %c0_i32 : i32, i32
  }
  func.func @transform_2(%arg0: i32) -> (i32, i32) {
    %c0_i32 = arith.constant 0 : i32
    %c0_i32_0 = arith.constant 0 : i32
    %c0_i32_1 = arith.constant 0 : i32
    return %c0_i32, %c0_i32_0 : i32, i32
  }
  func.func @transform_3(%arg0: i32) -> (i32, i32, i32) {
    %c0_i32 = arith.constant 0 : i32
    %c0_i32_0 = arith.constant 0 : i32
    %c0_i32_1 = arith.constant 0 : i32
    return %arg0, %c0_i32, %c0_i32_0 : i32, i32, i32
  }
}

</mosaic_0001>

<sc_bundles>
// kernel: kernel.4.cloned.1.call-start
scs
__scs_entry_jumppad:
0x0: {  	(pc) =	sbr.rel $0x88, $3  }
0x1: {  	(tag) =	ssettag $0x0;
	lr =	simm.s32 $0x1  }
0x2: {  	[smem:$0x3F9D] =	sst lr;
	_ =	strace $0xD0000000  }
0x3: {  	_ = 	snop  }
0x4: {  	_ = 	snop  }
0x5: {  	_ = 	snop  }
0x6: {  	_ = 	snop  }
0x7: {  	_ = 	snop  }
__scs_overlays_trampoline_lowered:
0x8: {  	[smem:$0x3FAC] =	sst s0  }
0x9: {  	[smem:$0x3FAD] =	sst s1  }
0xa: {  	[smem:$0x3FAE] =	sst s2  }
0xb: {  	[smem:$0x3FAF] =	sst s3  }
0xc: {  	[smem:$0x3FB0] =	sst s4  }
0xd: {  	[smem:$0x3FB1] =	sst s5  }
0xe: {  	[smem:$0x3FB2] =	sst s6  }
0xf: {  	[smem:$0x3FB3] =	sst s7  }
0x10: {  	[smem:$0x3FB4] =	sst s8  }
0x11: {  	[smem:$0x3FB5] =	sst s9;
	s0 =	simm.s32 @!p0 $0x0  }
0x12: {  	s1 =	sld [smem:$0x3F9B];
	s0 =	simm.s32 @p0 $0x1  }
0x13: {  	[smem:$0x3FB6] =	sst s0;
	s0 =	simm.s32 @!p1 $0x0  }
0x14: {  	s2 =	sld [smem:$0x3F9A];
	s0 =	simm.s32 @p1 $0x1  }
0x15: {  	[smem:$0x3FB7] =	sst s0;
	s0 =	simm.s32 @!p2 $0x0  }
0x16: {  	s3 =	sld [smem:$0x3FDB];
	s0 =	simm.s32 @p2 $0x1  }
0x17: {  	s4 =	simm.s32 $0x1BF5;
	[smem:$0x3FB9] =	sst s0  }
0x18: {  	s0 =	sld [smem:$0x3F9C];
	_ =	swait.ge [sflag:s4], $0x0  }
0x19: {  	s7 =	sld [smem:$0x3F9D]  }
0x1a: {  	s8 =	sadd.s32 $0xFFFFE003, lr  }
0x1b: {  	s9 =	sadd.s32 $0xFFFFFEF7, lr;
	s5 =	simm.s32 $0xFFFFFFFF;
	p2 =	slt.u32 s8, $0xFFFFF086  }
0x1c: {  	p1 =	slt.u32 s9, $0xF7A;
	s5 =	simm.s32 @!p2 $0x0  }
0x1d: {  	s5 =	simm.s32 @p1 $0x1;
	p0 =	seq.s32 s7, s2  }
0x1e: {  	s7 =	smul.u32 @!p0 $0xF7A, s2;
	p2 =	seq.s32 @!p0 s5, $0x0  }
0x1f: {  	s9 =	smul.u32 $0xF7A, s1;
	s8 =	simm.s32 @!p0 $0x1BF5;
	p2 =	por !p2, p0  }
0x20: {  	[sflag:s8] =	ssyncset.s32 @!p0 $0xFFFFF086;
	s6 =	sadd.s32 @!p0 s3, s7;
	s7 =	simm.s32 @!p0 $0x108  }
0x21: {  	s3 =	sadd.s32 s3, s9;
	s6 =	sadd.s32 @!p0 $0x88, s6;
	s7 =	simm.s32 @p2 $0x1082  }
0x22: {  	[simem:s7], [sflag:s8] =	dma.local @!p0 [hbm:s6], $0xF7A  }
0x23: {  	s9 =	sor.u32 $0xD0000000, s2;
	s6 =	simm.s32 $0x108;
	_ =	swait.ge @!p0 [sflag:s8], $0x0  }
0x24: {  	s3 =	sadd.s32 $0x88, s3;
	s6 =	simm.s32 @!p1 $0x1082;
	[sflag:s4] =	ssyncset.s32 $0xFFFFF086  }
0x25: {  	[simem:s6], [sflag:s4] =	dma.local [hbm:s3], $0xF7A  }
0x26: {  	[smem:$0x3F9D] =	sst s1;
	(tag) =	ssettag s2;
	_ =	strace s9  }
0x27: {  	s1 =	sld [smem:$0x3FAD]  }
0x28: {  	s2 =	sld [smem:$0x3FAE]  }
0x29: {  	s4 =	sld [smem:$0x3FB0]  }
0x2a: {  	p0 =	seq.s32 s5, $0x0;
	s5 =	sld [smem:$0x3FB1]  }
0x2b: {  	s6 =	sld [smem:$0x3FB2]  }
0x2c: {  	s7 =	sld [smem:$0x3FB3]  }
0x2d: {  	s3 =	simm.s32 $0x108;
	s8 =	sld [smem:$0x3FB4]  }
0x2e: {  	s3 =	simm.s32 @!p0 $0x1082;
	s9 =	sld [smem:$0x3FB5]  }
0x2f: {  	lr =	sadd.s32 s0, s3;
	s0 =	sld [smem:$0x3FAC]  }
0x30: {  	s3 =	sld [smem:$0x3FAF]  }
0x31: {  	[smem:$0x3FB8] =	sst s10  }
0x32: {  	s10 =	sld [smem:$0x3FB6];
	_ =	sdelay $0x3  }
0x33: {  	p0 =	seq.s32 s10, $0x1;
	s10 =	sld [smem:$0x3FB8];
	_ =	sdelay $0x3  }
0x34: {  	[smem:$0x3FB8] =	sst s10  }
0x35: {  	s10 =	sld [smem:$0x3FB7];
	_ =	sdelay $0x3  }
0x36: {  	p1 =	seq.s32 s10, $0x1;
	s10 =	sld [smem:$0x3FB8];
	_ =	sdelay $0x3  }
0x37: {  	[smem:$0x3FB8] =	sst s10  }
0x38: {  	s10 =	sld [smem:$0x3FB9]  }
0x39: {  	_ = 	snop;
	(pc) =	sbr.ind lr, $3  }
0x3a: {  	_ = 	snop  }
0x3b: {  	_ = 	snop  }
0x3c: {  	p2 =	seq.s32 s10, $0x1;
	s10 =	sld [smem:$0x3FB8]  }
0x3d: {  	_ =	shalt  }
0x3e: {  	_ =	shalt  }
0x3f: {  	_ =	shalt  }
0x40: {  	_ =	shalt  }
0x41: {  	_ =	shalt  }
0x42: {  	_ =	shalt  }
0x43: {  	_ =	shalt  }
0x44: {  	_ =	shalt  }
0x45: {  	_ =	shalt  }
0x46: {  	_ =	shalt  }
0x47: {  	_ =	shalt  }
0x48: {  	_ =	shalt  }
0x49: {  	_ =	shalt  }
0x4a: {  	_ =	shalt  }
0x4b: {  	_ =	shalt  }
0x4c: {  	_ =	shalt  }
0x4d: {  	_ =	shalt  }
0x4e: {  	_ =	shalt  }
0x4f: {  	_ =	shalt  }
0x50: {  	_ =	shalt  }
0x51: {  	_ =	shalt  }
0x52: {  	_ =	shalt  }
0x53: {  	_ =	shalt  }
0x54: {  	_ =	shalt  }
0x55: {  	_ =	shalt  }
0x56: {  	_ =	shalt  }
0x57: {  	_ =	shalt  }
0x58: {  	_ =	shalt  }
0x59: {  	_ =	shalt  }
0x5a: {  	_ =	shalt  }
0x5b: {  	_ =	shalt  }
0x5c: {  	_ =	shalt  }
0x5d: {  	_ =	shalt  }
0x5e: {  	_ =	shalt  }
0x5f: {  	_ =	shalt  }
0x60: {  	_ =	shalt  }
0x61: {  	_ =	shalt  }
0x62: {  	_ =	shalt  }
0x63: {  	_ =	shalt  }
0x64: {  	_ =	shalt  }
0x65: {  	_ =	shalt  }
0x66: {  	_ =	shalt  }
0x67: {  	_ =	shalt  }
0x68: {  	_ =	shalt  }
0x69: {  	_ =	shalt  }
0x6a: {  	_ =	shalt  }
0x6b: {  	_ =	shalt  }
0x6c: {  	_ =	shalt  }
0x6d: {  	_ =	shalt  }
0x6e: {  	_ =	shalt  }
0x6f: {  	_ =	shalt  }
0x70: {  	_ =	shalt  }
0x71: {  	_ =	shalt  }
0x72: {  	_ =	shalt  }
0x73: {  	_ =	shalt  }
0x74: {  	_ =	shalt  }
0x75: {  	_ =	shalt  }
0x76: {  	_ =	shalt  }
0x77: {  	_ =	shalt  }
0x78: {  	_ =	shalt  }
0x79: {  	_ =	shalt  }
0x7a: {  	_ =	shalt  }
0x7b: {  	_ =	shalt  }
0x7c: {  	_ =	shalt  }
0x7d: {  	_ =	shalt  }
0x7e: {  	_ =	shalt  }
0x7f: {  	_ =	shalt  }
0x80: {  	_ =	shalt  }
0x81: {  	_ =	shalt  }
0x82: {  	_ =	shalt  }
0x83: {  	_ =	shalt  }
0x84: {  	_ =	shalt  }
0x85: {  	_ =	shalt  }
0x86: {  	_ =	shalt  }
0x87: {  	_ =	shalt  }
.Lfunc_end0:
.L_simem_size_0:
called_computation_lowered:
.L_overlay_start_0:
0x88: {  	s2 =	sld [smem:$0x3FD9]  }
0x89: {  	s3 =	sld [smem:$0x3FFE];
	_ =	sdelay $0x1  }
0x8a: {  	s1 =	srdreg.scid  }
0x8b: {  	s0 =	sand.u32 $0x1, s1  }
0x8c: {  	s17 =	sshll.u32 s0, $0xA;
	s2 =	sadd.s32 s3, s2  }
0x8d: {  	s2 =	sadd.s32 s2, s17  }
0x8e: {  	[smem:$0x3FC4] =	sst s2  }
0x8f: {  	_ = 	snop  }
0x90: {  	s2 =	sld [smem:$0x3FD0];
	(tm) =	ssettm $0x1  }
0x91: {  	s18 =	sld [smem:$0x3FFB];
	_ =	sdelay $0x3  }
0x92: {  	_ =	strace s18  }
0x93: {  	s3 =	sld [smem:$0x3FFC];
	_ =	sdelay $0x3  }
0x94: {  	_ =	strace s3  }
0x95: {  	s3 =	sld [smem:$0x3FFD];
	_ =	sdelay $0x3  }
0x96: {  	_ =	strace s3  }
0x97: {  	_ =	strace $0x8FFFFFFF  }
0x98: {  	s19 =	sld [smem:$0x3FDB];
	_ =	sdelay $0x1  }
0x99: {  	s4 =	simm.s32 $_scs_section_size  }
0x9a: {  	s5 =	simm.s32 $_size__tile_overlayer_lowered;
	s6 =	simm.s32 $_tile_overlayer_lowered  }
0x9b: {  	s22 =	simm.s32 $0x1BFF;
	s21 =	sshll.u32 s6, $0x1;
	s3 =	sadd.s32 s4, s19  }
0x9c: {  	s7 =	simm.s32 $0x0;
	s20 =	sshll.u32 s5, $0x1;
	s5 =	sadd.s32 s21, s3  }
0x9d: {  	[timem:s7], [sflag:s22] =	dma.local [hbm:s5], s20  }
0x9e: {  	_ =	swait.ge [sflag:s22], s20  }
0x9f: {  	s4 =	ssub.s32 $0x0, s20;
	[sflag:s22] =	ssyncset.done $0x0  }
0xa0: {  	[sflag:s22] =	ssyncadd.s32 s4;
	_ =	sdelay $0x1  }
0xa1: {  	s23 =	simm.s32 $0x1B8B  }
0xa2: {  	_ =	swait.ge [sflag:s23], $0x1  }
0xa3: {  	[sflag:s23] =	ssyncset.done $0x0  }
0xa4: {  	s25 =	simm.s32 $0x1B8E;
	s24 =	sld [smem:$0x3FFE];
	[sflag:s23] =	ssyncadd.s32 $0xFFFFFFFF  }
0xa5: {  	s26 =	simm.s32 $execute0_lowered;
	[smem:$0x3FD2] =	sst s25  }
0xa6: {  	s5 =	sshll.u32 s26, $0x1;
	_ =	strace $0x80000046;
	[dreg:$0x1] =	wrdreg $0xFFFFFFFF  }
0xa7: {  	s28 =	simm.s32 $_size_execute0_lowered;
	s3 =	sadd.s32 s3, s5;
	[dreg:$0x0] =	wrdreg $0x0  }
0xa8: {  	s5 =	sshll.u32 s28, $0x1;
	[dreg:$0x2] =	wrdreg s3  }
0xa9: {  	[dreg:$0x3] =	wrdreg s5  }
0xaa: {  	[dreg:$0x4] =	wrdreg $0xC0  }
0xab: {  	_ =	task [dreg:s7], $0x5FFFF  }
0xac: {  	[dreg:$0x1] =	wrdreg $0xFFFFFFFF  }
0xad: {  	[dreg:$0x0] =	wrdreg $0x60  }
0xae: {  	[dreg:$0x2] =	wrdreg s24  }
0xaf: {  	[dreg:$0x3] =	wrdreg s2  }
0xb0: {  	[dreg:$0x4] =	wrdreg $0x9  }
0xb1: {  	_ =	task.clear_ibuf [dreg:s7], $0x5FFFF;
	_ =	strace $0x90000046  }
0xb2: {  	s29 =	simm.s32 $0x9;
	_ =	strace $0x80000048  }
0xb3: {  	_ =	swait.ge [sflag:s29], $0x1  }
0xb4: {  	[sflag:s29] =	ssyncadd.s32 $0xFFFFFFFF  }
0xb5: {  	_ =	strace $0x90000048  }
0xb6: {  	_ =	sfence  }
0xb7: {  	s30 =	sld [smem:$0x0];
	_ =	sdelay $0x2  }
0xb8: {  	s31 =	sshll.u32 s1, $0xD;
	s1 =	sshrl.u32 s1, $0x2  }
0xb9: {  	s3 =	sand.u32 $0x4000, s31;
	s1 =	sadd.s32 s1, s30  }
0xba: {  	s0 =	sor.u32 s3, s0;
	s1 =	sshll.u32 s1, $0x11  }
0xbb: {  	s0 =	sor.u32 s1, s0  }
0xbc: {  	s0 =	sadd.s32 $0x8F2B, s0  }
0xbd: {  	[sflag:s0] =	ssyncadd.remote.s32 $0x1  }
0xbe: {  	_ =	sfence.sel $0xFFFF  }
0xbf: {  	[dreg:$0x0] =	wrdreg $0xFFFFFFFF;
	(pc) =	sbr.abs _section_cstart, $3  }
0xc0: {  	[dreg:$0x1] =	wrdreg $0xFFFFFFFF  }
0xc1: {  	_ =	task.clear_ibuf [dreg:s7], $0x2FFFF;
	_ =	strace $0x9FFFFFFF  }
0xc2: {  	(tm) =	ssettm $0x7FFFFFFF  }
0xc3: {  	_ =	shalt  }
tec
execute0_lowered:
.L_overlay_start_1:
0x0: {  	(tag) =	ssettag $0x1  }
0x1: {  	s0 =	srdreg.scid;
	s1 =	rddreg [dreg:$0x0]  }
0x2: {  	s2 =	rddreg [dreg:$0x1];
	s0 =	sand.u32 $0x1, s0  }
0x3: {  	s3 =	stileid.u32;
	s4 =	simm.s32 $0x0;
	p0 =	seq.s32 s0, $0x1  }
0x4: {  	[smem:$0x7FF] =	sst s4;
	s5 =	smul.u32 @!p0 $0x6, s3  }
0x5: {  	s4 =	sadd.s32 $0x800, s1;
	s0 =	rddreg [dreg:$0x2]  }
0x6: {  	_ =	strace $0x80000047;
	s4 =	sadd.s32 @!p0 s4, s5;
	s5 =	simm.s32 @!p0 $0x0  }
0x7: {  	[tilespmem:s5], [sflag:$0x2] =	stream.linear.gather @!p0 [hbm4b:s4+s5], $0x30, $0x38;
	[tilespmem:$0x1880] =	vst v63  }
0x8: {  	s4 =	simm.s32 @!p0 $0x2  }
0x9: {  	_ =	swait.ge @!p0 [sflag:s4], $0x30  }
0xa: {  	s1 =	sadd.s32 $0xA00, s1;
	[sflag:s4] =	ssyncset.done @!p0 $0x0  }
0xb: {  	s6 =	simm.s32 @!p0 $0x30;
	s7 =	simm.s32 @!p0 $0x80;
	[sflag:s4] =	ssyncadd.s32 @!p0 $0xFFFFFFD0  }
0xc: {  	[tilespmem:s7], [sflag:$0x1] =	stream.indirect.gather @!p0 [hbm4b:s1+s6], $0x80, s5, s6, $0xb8;
	[tilespmem:$0x1880] =	vst v63  }
0xd: {  	s1 =	simm.s32 @!p0 $0x1  }
0xe: {  	s6 =	smul.u32 @!p0 $0x300, s3;
	_ =	swait.ge @!p0 [sflag:s1], $0x1800  }
0xf: {  	[sflag:s1] =	ssyncset.done @!p0 $0x0  }
0x10: {  	s2 =	sadd.s32 @!p0 s2, s6;
	[sflag:s1] =	ssyncadd.s32 @!p0 $0xFFFFE800  }
0x11: {  	[hbm4b:s2+s5] =	stream.linear.scatter @!p0 [tilespmem:s7], [sflag:$0x2], $0x1800, $0x38;
	[tilespmem:$0x1880] =	vst v63  }
0x12: {  	_ =	swait.ge @!p0 [sflag:s4], $0x1800  }
0x13: {  	[sflag:s4] =	ssyncset.done @!p0 $0x0  }
0x14: {  	[sflag:s4] =	ssyncadd.s32 @!p0 $0xFFFFE800  }
0x15: {  	_ =	sfence.sel $0x180000  }
0x16: {  	[bflag:$0x0] =	sbarrier.arrive $0xFFFF  }
0x17: {  	p0 =	sne.s32 s3, $0x0;
	_ =	strace $0x90000047  }
0x18: {  	s0 =	sadd.s32 @!p0 $0x100000, s0;
	[bflag:$0x2] =	sbarrier.arrive $0xFFFF  }
0x19: {  	[sflag:s0] =	ssyncadd.tile.s32 @!p0 $0x1;
	_ =	shalt  }
.Lfunc_end2:
_tile_overlayer_lowered:
.L_overlay_start_2:
0x1a: {  	(tag) =	ssettag $0x2  }
0x1b: {  	s0 =	rddreg [dreg:$0x0];
	s2 =	stileid.u32  }
0x1c: {  	s1 =	rddreg [dreg:$0x1];
	p0 =	sne.s32 s2, $0x0  }
0x1d: {  	s3 =	rddreg [dreg:$0x2];
	[bflag:$0x3] =	sbarrier.arrive $0xFFFF;
	s2 =	simm.s32 @!p0 $0x1C02  }
0x1e: {  	[timem:s3], [sflag:s2] =	dma.local @!p0 [hbm:s0], s1  }
0x1f: {  	s0 =	simm.s32 @!p0 $0x2  }
0x20: {  	_ =	swait.ge @!p0 [sflag:s0], s1  }
0x21: {  	s1 =	ssub.s32 @!p0 $0x0, s1;
	[sflag:s0] =	ssyncset.done @!p0 $0x0  }
0x22: {  	[sflag:s0] =	ssyncadd.s32 @!p0 s1  }
0x23: {  	[bflag:$0x3] =	sbarrier.arrive $0xFFFF  }
0x24: {  	_ =	shalt  }

</sc_bundles>
